<compile_context>
chip_gen: v7x
topology: tpu7x:2x2x1
jax: 0.10.2.dev20260603
libtpu: 0.0.44.dev20260713+nightly
codegen_flags: <defaults>
</compile_context>

<pallas_src>
import math

import jax
import jax.numpy as jnp
from jax import lax
from jax.experimental import pallas as pl
from jax.experimental.pallas import tpu as pltpu
from jax.experimental.pallas import tpu_sc as plsc

NCB = 16
CB_DIM = 4
CB_SIZE = 1024
TN = 4096
NW = 32
LANES = 16


def _tc_body(inv_l_ref, x_ref, cbt_ref, logits_ref, idx_ref):
    inv_l = inv_l_ref[0]
    logits = logits_ref[0]
    m = jnp.max(logits, axis=-1, keepdims=True)
    lse = jnp.log(jnp.sum(jnp.exp(logits - m), axis=-1, keepdims=True)) + m
    l2pmf = (logits - lse) * jnp.float32(-1.0 / math.log(2.0))

    cbt = cbt_ref[0]
    cb2 = jnp.sum(cbt * cbt, axis=0, keepdims=True)
    const = cb2 + l2pmf * inv_l

    w_aug = jnp.concatenate([cbt * jnp.float32(-2.0), const], axis=0)
    xb = x_ref[0]
    xb_aug = jnp.concatenate(
        [xb, jnp.ones((xb.shape[0], 1), jnp.float32)], axis=1)
    dist = lax.dot_general(xb_aug, w_aug, (((1,), (0,)), ((), ())),
                           preferred_element_type=jnp.float32)
    idx_ref[0] = jnp.argmin(dist, axis=-1).astype(jnp.int32)[:, None]


def _sc_body(cb_hbm, pmf_hbm, idx_hbm, xh_hbm, rate_hbm,
             cb_v, pmf_v, idx_v, out_v, acc_v, sem):
    nc = 2
    wid = lax.axis_index("s") * nc + lax.axis_index("c")
    b = wid // 2
    half = wid % 2
    per_w = TN // 2

    pltpu.sync_copy(cb_hbm.at[pl.ds(b * CB_SIZE * CB_DIM, CB_SIZE * CB_DIM)],
                    cb_v)
    pltpu.sync_copy(pmf_hbm.at[pl.ds(b * CB_SIZE, CB_SIZE)], pmf_v)
    pltpu.sync_copy(
        idx_hbm.at[pl.ds(b * TN + half * per_w, per_w)], idx_v)

    def step(i, acc):
        ids = idx_v[pl.ds(i * LANES, LANES)]
        acc = acc + plsc.load_gather(pmf_v, [ids])
        ids4 = ids * 4
        for c in range(CB_DIM):
            vals = plsc.load_gather(cb_v, [ids4 + c])
            out_v[c, pl.ds(i * LANES, LANES)] = vals
        return acc

    acc = lax.fori_loop(0, per_w // LANES, step, jnp.zeros((LANES,), jnp.float32))
    acc_v[...] = acc
    pltpu.sync_copy(out_v, xh_hbm.at[b, half])
    pltpu.sync_copy(acc_v, rate_hbm.at[wid])


def kernel(x, codebook, logits, lmbda):
    shape = x.shape
    xf = x.reshape(-1, NCB, CB_DIM)
    n = xf.shape[0]
    xt = xf.transpose(1, 0, 2)
    cbt = codebook.transpose(0, 2, 1)
    l2pmf = jax.nn.log_softmax(logits, axis=-1) * jnp.float32(-1.0 / math.log(2.0))
    inv_l = (jnp.float32(1.0) / jnp.asarray(lmbda, jnp.float32)).reshape(1)

    idx = pl.pallas_call(
        _tc_body,
        grid=(NCB, n // TN),
        in_specs=[
            pl.BlockSpec(memory_space=pltpu.SMEM),
            pl.BlockSpec((1, TN, CB_DIM), lambda b, i: (b, i, 0)),
            pl.BlockSpec((1, CB_DIM, CB_SIZE), lambda b, i: (b, 0, 0)),
            pl.BlockSpec((1, 1, CB_SIZE), lambda b, i: (b, 0, 0)),
        ],
        out_specs=pl.BlockSpec((1, TN, 1), lambda b, i: (b, i, 0)),
        out_shape=jax.ShapeDtypeStruct((NCB, n, 1), jnp.int32),
    )(inv_l, xt, cbt, logits.reshape(NCB, 1, CB_SIZE))

    per_w = TN // 2
    mesh = plsc.VectorSubcoreMesh(core_axis_name="c", subcore_axis_name="s")
    sck = pl.kernel(
        _sc_body,
        mesh=mesh,
        compiler_params=pltpu.CompilerParams(needs_layout_passes=False),
        out_type=[
            jax.ShapeDtypeStruct((NCB, 2, CB_DIM, per_w), jnp.float32),
            jax.ShapeDtypeStruct((NW, LANES), jnp.float32),
        ],
        scratch_types=[
            pltpu.VMEM((CB_SIZE * CB_DIM,), jnp.float32),
            pltpu.VMEM((CB_SIZE,), jnp.float32),
            pltpu.VMEM((per_w,), jnp.int32),
            pltpu.VMEM((CB_DIM, per_w), jnp.float32),
            pltpu.VMEM((LANES,), jnp.float32),
            pltpu.SemaphoreType.DMA,
        ],
    )
    xh_cm, rate_parts = sck(codebook.reshape(-1), l2pmf.reshape(-1),
                            idx.reshape(-1))

    x_hat = xh_cm.transpose(1, 3, 0, 2).reshape(n, NCB, CB_DIM).reshape(shape)
    rate_uem = jnp.sum(rate_parts)
    zero = jnp.zeros((1,), dtype=jnp.float32)
    return (x_hat, rate_uem, jnp.zeros((), jnp.float32), zero, zero)

# --- scband reference (transcript-rebuilt; emitter-appended) ---
"""Pipeline reference for scband-ecvqlastdim-13322988552583 (READ-ONLY COPY).

The authoritative reference and input builder live on the scoring server;
editing this copy changes nothing except your own understanding.
"""

import jax, jax.numpy as jnp
import numpy as np
import math

NCB = 16
CB_DIM = 4
CB_SIZE = 1024
N = 4096


def setup_inputs(seed: int = 0) -> dict:
    key = jax.random.key(seed)
    k1, k2 = jax.random.split(key)
    x = jax.random.normal(k1, (N, NCB, CB_DIM), dtype=jnp.float32)
    # nn.Parameter(torch.Tensor(ncb, cb_size, cb_dim).normal_(0, 1/sqrt(cb_dim)))
    codebook = jax.random.normal(k2, (NCB, CB_SIZE, CB_DIM), dtype=jnp.float32) * (1.0 / math.sqrt(CB_DIM))
    # nn.Parameter(torch.zeros(ncb, cb_size))
    logits = jnp.zeros((NCB, CB_SIZE), dtype=jnp.float32)
    return {"x": x, "codebook": codebook, "logits": logits, "lmbda": 64}


def reference(x, codebook, logits, lmbda):
    # ECVQlastdim.forward with prior_param=None (unconditional entropy model path)
    shape = x.shape
    xf = x.reshape(-1, NCB, CB_DIM)
    # uncondi_entropy_model.log_pmf() == log_softmax(logits); convert to bits
    log2_pmf_u = jax.nn.log_softmax(logits, axis=-1) / (-math.log(2.0))
    param_bit = jnp.zeros((1,), dtype=jnp.float32)
    prior_dist = jnp.zeros((1,), dtype=jnp.float32)
    # rate_constrain=True -> rate_bias = log2_pmf / lmbda
    rate_bias = log2_pmf_u / lmbda
    # ConditionalVectorQuantization.l2_dist
    # dist = |x|^2 (n,ncb,1) + |cb|^2 (ncb,cb_size) - 2 * einsum('abc,dac->dab', cb, x)
    dist = (jnp.sum(xf ** 2, axis=-1, keepdims=True)
            + jnp.sum(codebook ** 2, axis=-1)
            - 2.0 * jnp.einsum('abc,dac->dab', codebook, xf))
    dist = rate_bias + dist
    idx = jnp.argmin(dist, axis=-1)
    one_hot = jax.nn.one_hot(idx, CB_SIZE, dtype=dist.dtype)  # scatter_ of 1.0 into zeros_like(dist)
    x_hat = jnp.einsum('abc,bcd->abd', one_hot, codebook)
    rate_uem = jnp.sum(one_hot * log2_pmf_u)
    rate_cem = jnp.zeros_like(rate_uem)
    return (x_hat.reshape(shape), rate_uem, rate_cem, prior_dist, param_bit)

if __name__ == "__main__":
    import jax
    _d = setup_inputs()
    print(jax.jit(kernel)(*tuple(_d.values())))

</pallas_src>

<mosaic_0001>
#map = affine_map<(d0, d1) -> (0)>
#map1 = affine_map<(d0, d1) -> (0, 0, 0, 0)>
#map2 = affine_map<(d0, d1) -> (0, 0)>
module attributes {stable_mosaic.version = 14 : i64} {
  func.func @_sc_body(%arg0: i32, %arg1: i32, %arg2: memref<65536xf32, #tpu.memory_space<hbm>>, %arg3: memref<16384xf32, #tpu.memory_space<hbm>>, %arg4: memref<65536xi32, #tpu.memory_space<hbm>>, %arg5: memref<16x2x4x2048xf32, #tpu.memory_space<hbm>>, %arg6: memref<32x16xf32, #tpu.memory_space<hbm>>, %arg7: memref<4096xf32, #tpu.memory_space<vmem>>, %arg8: memref<1024xf32, #tpu.memory_space<vmem>>, %arg9: memref<2048xi32, #tpu.memory_space<vmem>>, %arg10: memref<4x2048xf32, #tpu.memory_space<vmem>>, %arg11: memref<16xf32, #tpu.memory_space<vmem>>, %arg12: memref<!tpu.dma_semaphore, #tpu.memory_space<semaphore_mem>>) attributes {dimension_semantics = [#tpu.dimension_semantics<core_parallel>, #tpu.dimension_semantics<subcore_parallel>], iteration_bounds = array<i64: 2, 16>, scalar_prefetch = 0 : i64, scratch_operands = 6 : i64, tpu.core_type = #tpu.core_type<sc_vector_subcore>, window_params = [{transform_indices = #map}, {transform_indices = #map}, {transform_indices = #map}, {transform_indices = #map1}, {transform_indices = #map2}]} {
    %mul3A = arith.constant 2 : i32
    %mul3A_0 = arith.muli %arg1, %mul3A : i32
    %add3A = arith.addi %mul3A_0, %arg0 : i32
    %jit3A = arith.constant 2 : i32
    %div3A = arith.divsi %add3A, %jit3A : i32
    %sign3A = arith.constant 0 : i32
    %sign3A_1 = arith.cmpi sgt, %add3A, %sign3A : i32
    %sign3A_2 = arith.extui %sign3A_1 : i1 to i32
    %sign3A_3 = arith.constant 0 : i32
    %sign3A_4 = arith.cmpi slt, %add3A, %sign3A_3 : i32
    %sign3A_5 = arith.extui %sign3A_4 : i1 to i32
    %sign3A_6 = arith.subi %sign3A_2, %sign3A_5 : i32
    %sign3A_7 = arith.constant 0 : i32
    %sign3A_8 = arith.cmpi sgt, %jit3A, %sign3A_7 : i32
    %sign3A_9 = arith.extui %sign3A_8 : i1 to i32
    %sign3A_10 = arith.constant 0 : i32
    %sign3A_11 = arith.cmpi slt, %jit3A, %sign3A_10 : i32
    %sign3A_12 = arith.extui %sign3A_11 : i1 to i32
    %sign3A_13 = arith.subi %sign3A_9, %sign3A_12 : i32
    %ne3A = arith.cmpi ne, %sign3A_6, %sign3A_13 : i32
    %rem3A = arith.remsi %add3A, %jit3A : i32
    %ne3A_14 = arith.constant 0 : i32
    %ne3A_15 = arith.cmpi ne, %rem3A, %ne3A_14 : i32
    %and3A = arith.andi %ne3A, %ne3A_15 : i1
    %sub3A = arith.constant 1 : i32
    %sub3A_16 = arith.subi %div3A, %sub3A : i32
    %select_n3A = arith.select %and3A, %sub3A_16, %div3A : i32
    %jit3A_17 = arith.constant 2 : i32
    %eq3A = arith.constant 0 : i32
    %eq3A_18 = arith.cmpi eq, %jit3A_17, %eq3A : i32
    %jit3A_19 = arith.constant 1 : i32
    %select_n3A_20 = arith.select %eq3A_18, %jit3A_19, %jit3A_17 : i32
    %rem3A_21 = arith.remsi %add3A, %select_n3A_20 : i32
    %ne3A_22 = arith.constant 0 : i32
    %ne3A_23 = arith.cmpi ne, %rem3A_21, %ne3A_22 : i32
    %lt3A = arith.constant 0 : i32
    %lt3A_24 = arith.cmpi slt, %rem3A_21, %lt3A : i32
    %lt3A_25 = arith.constant 0 : i32
    %lt3A_26 = arith.cmpi slt, %select_n3A_20, %lt3A_25 : i32
    %ne3A_27 = arith.xori %lt3A_24, %lt3A_26 : i1
    %and3A_28 = arith.andi %ne3A_27, %ne3A_23 : i1
    %add3A_29 = arith.addi %rem3A_21, %select_n3A_20 : i32
    %select_n3A_30 = arith.select %and3A_28, %add3A_29, %rem3A_21 : i32
    %mul3A_31 = arith.constant 1024 : i32
    %mul3A_32 = arith.muli %select_n3A, %mul3A_31 : i32
    %mul3A_33 = arith.constant 4 : i32
    %mul3A_34 = arith.muli %mul3A_32, %mul3A_33 : i32
    "tpu.region"() ({
      %run_scoped3A = tpu.sem_alloc : memref<!tpu.dma_semaphore, #tpu.memory_space<semaphore_mem>>
      %dma_start3A = tpu.memref_slice %arg2[%mul3A_34] : memref<65536xf32, #tpu.memory_space<hbm>> -> memref<4096xf32, #tpu.memory_space<hbm>>
      %dma_start3A_49 = tpu.memref_slice %arg2[%mul3A_34] : memref<65536xf32, #tpu.memory_space<hbm>> -> memref<4096xf32, #tpu.memory_space<hbm>>
      tpu.enqueue_dma source(%dma_start3A_49 : memref<4096xf32, #tpu.memory_space<hbm>>) target(%arg7 : memref<4096xf32, #tpu.memory_space<vmem>>) target_semaphore(%run_scoped3A : memref<!tpu.dma_semaphore, #tpu.memory_space<semaphore_mem>>)
      %dma_wait3A = tpu.memref_slice %arg2[%mul3A_34] : memref<65536xf32, #tpu.memory_space<hbm>> -> memref<4096xf32, #tpu.memory_space<hbm>>
      %dma_wait3A_50 = tpu.memref_slice %arg2[%mul3A_34] : memref<65536xf32, #tpu.memory_space<hbm>> -> memref<4096xf32, #tpu.memory_space<hbm>>
      tpu.wait_dma2 semaphore(%run_scoped3A : memref<!tpu.dma_semaphore, #tpu.memory_space<semaphore_mem>>) src(%dma_wait3A_50 : memref<4096xf32, #tpu.memory_space<hbm>>) dst(%arg7 : memref<4096xf32, #tpu.memory_space<vmem>>)
      tpu.yield
    }) : () -> ()
    %mul3A_35 = arith.constant 1024 : i32
    %mul3A_36 = arith.muli %select_n3A, %mul3A_35 : i32
    "tpu.region"() ({
      %run_scoped3A = tpu.sem_alloc : memref<!tpu.dma_semaphore, #tpu.memory_space<semaphore_mem>>
      %dma_start3A = tpu.memref_slice %arg3[%mul3A_36] : memref<16384xf32, #tpu.memory_space<hbm>> -> memref<1024xf32, #tpu.memory_space<hbm>>
      %dma_start3A_49 = tpu.memref_slice %arg3[%mul3A_36] : memref<16384xf32, #tpu.memory_space<hbm>> -> memref<1024xf32, #tpu.memory_space<hbm>>
      tpu.enqueue_dma source(%dma_start3A_49 : memref<1024xf32, #tpu.memory_space<hbm>>) target(%arg8 : memref<1024xf32, #tpu.memory_space<vmem>>) target_semaphore(%run_scoped3A : memref<!tpu.dma_semaphore, #tpu.memory_space<semaphore_mem>>)
      %dma_wait3A = tpu.memref_slice %arg3[%mul3A_36] : memref<16384xf32, #tpu.memory_space<hbm>> -> memref<1024xf32, #tpu.memory_space<hbm>>
      %dma_wait3A_50 = tpu.memref_slice %arg3[%mul3A_36] : memref<16384xf32, #tpu.memory_space<hbm>> -> memref<1024xf32, #tpu.memory_space<hbm>>
      tpu.wait_dma2 semaphore(%run_scoped3A : memref<!tpu.dma_semaphore, #tpu.memory_space<semaphore_mem>>) src(%dma_wait3A_50 : memref<1024xf32, #tpu.memory_space<hbm>>) dst(%arg8 : memref<1024xf32, #tpu.memory_space<vmem>>)
      tpu.yield
    }) : () -> ()
    %mul3A_37 = arith.constant 4096 : i32
    %mul3A_38 = arith.muli %select_n3A, %mul3A_37 : i32
    %mul3A_39 = arith.constant 2048 : i32
    %mul3A_40 = arith.muli %select_n3A_30, %mul3A_39 : i32
    %add3A_41 = arith.addi %mul3A_38, %mul3A_40 : i32
    "tpu.region"() ({
      %run_scoped3A = tpu.sem_alloc : memref<!tpu.dma_semaphore, #tpu.memory_space<semaphore_mem>>
      %dma_start3A = tpu.memref_slice %arg4[%add3A_41] : memref<65536xi32, #tpu.memory_space<hbm>> -> memref<2048xi32, #tpu.memory_space<hbm>>
      %dma_start3A_49 = tpu.memref_slice %arg4[%add3A_41] : memref<65536xi32, #tpu.memory_space<hbm>> -> memref<2048xi32, #tpu.memory_space<hbm>>
      tpu.enqueue_dma source(%dma_start3A_49 : memref<2048xi32, #tpu.memory_space<hbm>>) target(%arg9 : memref<2048xi32, #tpu.memory_space<vmem>>) target_semaphore(%run_scoped3A : memref<!tpu.dma_semaphore, #tpu.memory_space<semaphore_mem>>)
      %dma_wait3A = tpu.memref_slice %arg4[%add3A_41] : memref<65536xi32, #tpu.memory_space<hbm>> -> memref<2048xi32, #tpu.memory_space<hbm>>
      %dma_wait3A_50 = tpu.memref_slice %arg4[%add3A_41] : memref<65536xi32, #tpu.memory_space<hbm>> -> memref<2048xi32, #tpu.memory_space<hbm>>
      tpu.wait_dma2 semaphore(%run_scoped3A : memref<!tpu.dma_semaphore, #tpu.memory_space<semaphore_mem>>) src(%dma_wait3A_50 : memref<2048xi32, #tpu.memory_space<hbm>>) dst(%arg9 : memref<2048xi32, #tpu.memory_space<vmem>>)
      tpu.yield
    }) : () -> ()
    %broadcast_in_dim3A = arith.constant 0.000000e+00 : f32
    %broadcast_in_dim3A_42 = vector.broadcast %broadcast_in_dim3A : f32 to vector<16xf32>
    %scan3A = arith.constant 0 : i32
    %scan3A_43 = arith.constant 128 : i32
    %scan3A_44 = arith.addi %scan3A, %scan3A_43 : i32
    %scan3A_45 = arith.constant 1 : i32
    %scan3A_46 = scf.for %scan3A_49 = %scan3A to %scan3A_44 step %scan3A_45 iter_args(%scan3A_50 = %broadcast_in_dim3A_42) -> (vector<16xf32>)  : i32 {
      %mul3A_51 = arith.constant 16 : i32
      %mul3A_52 = arith.muli %scan3A_49, %mul3A_51 : i32
      %get3A = arith.index_cast %mul3A_52 : i32 to index
      %get3A_53 = tpu.vector_load %arg9[%get3A] {strides = array<i32>} : memref<2048xi32, #tpu.memory_space<vmem>>, vector<16xi32>,
      %gather3A = tpu.vector_load_idx %arg8[%get3A_53] : memref<1024xf32, #tpu.memory_space<vmem>>[vector<16xi32>], vector<16xf32>,
      %add3A_54 = arith.addf %scan3A_50, %gather3A : vector<16xf32>
      %mul3A_55 = arith.constant 4 : i32
      %mul3A_56 = vector.broadcast %mul3A_55 : i32 to vector<16xi32>
      %mul3A_57 = arith.muli %get3A_53, %mul3A_56 : vector<16xi32>
      %add3A_58 = arith.constant 0 : i32
      %add3A_59 = vector.broadcast %add3A_58 : i32 to vector<16xi32>
      %add3A_60 = arith.addi %mul3A_57, %add3A_59 : vector<16xi32>
      %gather3A_61 = tpu.vector_load_idx %arg7[%add3A_60] : memref<4096xf32, #tpu.memory_space<vmem>>[vector<16xi32>], vector<16xf32>,
      %mul3A_62 = arith.constant 16 : i32
      %mul3A_63 = arith.muli %scan3A_49, %mul3A_62 : i32
      %swap3A_64 = arith.constant 0 : i32
      %swap3A_65 = arith.index_cast %swap3A_64 : i32 to index
      %swap3A_66 = arith.index_cast %mul3A_63 : i32 to index
      %swap3A_67 = tpu.vector_load %arg10[%swap3A_65, %swap3A_66] {strides = array<i32>} : memref<4x2048xf32, #tpu.memory_space<vmem>>, vector<16xf32>,
      tpu.vector_store %arg10[%swap3A_65, %swap3A_66], %gather3A_61 {strides = array<i32>} : memref<4x2048xf32, #tpu.memory_space<vmem>>, vector<16xf32>,
      %add3A_68 = arith.constant 1 : i32
      %add3A_69 = vector.broadcast %add3A_68 : i32 to vector<16xi32>
      %add3A_70 = arith.addi %mul3A_57, %add3A_69 : vector<16xi32>
      %gather3A_71 = tpu.vector_load_idx %arg7[%add3A_70] : memref<4096xf32, #tpu.memory_space<vmem>>[vector<16xi32>], vector<16xf32>,
      %mul3A_72 = arith.constant 16 : i32
      %mul3A_73 = arith.muli %scan3A_49, %mul3A_72 : i32
      %swap3A_74 = arith.constant 1 : i32
      %swap3A_75 = arith.index_cast %swap3A_74 : i32 to index
      %swap3A_76 = arith.index_cast %mul3A_73 : i32 to index
      %swap3A_77 = tpu.vector_load %arg10[%swap3A_75, %swap3A_76] {strides = array<i32>} : memref<4x2048xf32, #tpu.memory_space<vmem>>, vector<16xf32>,
      tpu.vector_store %arg10[%swap3A_75, %swap3A_76], %gather3A_71 {strides = array<i32>} : memref<4x2048xf32, #tpu.memory_space<vmem>>, vector<16xf32>,
      %add3A_78 = arith.constant 2 : i32
      %add3A_79 = vector.broadcast %add3A_78 : i32 to vector<16xi32>
      %add3A_80 = arith.addi %mul3A_57, %add3A_79 : vector<16xi32>
      %gather3A_81 = tpu.vector_load_idx %arg7[%add3A_80] : memref<4096xf32, #tpu.memory_space<vmem>>[vector<16xi32>], vector<16xf32>,
      %mul3A_82 = arith.constant 16 : i32
      %mul3A_83 = arith.muli %scan3A_49, %mul3A_82 : i32
      %swap3A_84 = arith.constant 2 : i32
      %swap3A_85 = arith.index_cast %swap3A_84 : i32 to index
      %swap3A_86 = arith.index_cast %mul3A_83 : i32 to index
      %swap3A_87 = tpu.vector_load %arg10[%swap3A_85, %swap3A_86] {strides = array<i32>} : memref<4x2048xf32, #tpu.memory_space<vmem>>, vector<16xf32>,
      tpu.vector_store %arg10[%swap3A_85, %swap3A_86], %gather3A_81 {strides = array<i32>} : memref<4x2048xf32, #tpu.memory_space<vmem>>, vector<16xf32>,
      %add3A_88 = arith.constant 3 : i32
      %add3A_89 = vector.broadcast %add3A_88 : i32 to vector<16xi32>
      %add3A_90 = arith.addi %mul3A_57, %add3A_89 : vector<16xi32>
      %gather3A_91 = tpu.vector_load_idx %arg7[%add3A_90] : memref<4096xf32, #tpu.memory_space<vmem>>[vector<16xi32>], vector<16xf32>,
      %mul3A_92 = arith.constant 16 : i32
      %mul3A_93 = arith.muli %scan3A_49, %mul3A_92 : i32
      %swap3A_94 = arith.constant 3 : i32
      %swap3A_95 = arith.index_cast %swap3A_94 : i32 to index
      %swap3A_96 = arith.index_cast %mul3A_93 : i32 to index
      %swap3A_97 = tpu.vector_load %arg10[%swap3A_95, %swap3A_96] {strides = array<i32>} : memref<4x2048xf32, #tpu.memory_space<vmem>>, vector<16xf32>,
      tpu.vector_store %arg10[%swap3A_95, %swap3A_96], %gather3A_91 {strides = array<i32>} : memref<4x2048xf32, #tpu.memory_space<vmem>>, vector<16xf32>,
      scf.yield %add3A_54 : vector<16xf32>
    }
    %scan3A_47 = arith.constant 128 : i32
    %swap3A = arith.constant 0 : index
    %swap3A_48 = tpu.vector_load %arg11[%swap3A] {strides = array<i32>} : memref<16xf32, #tpu.memory_space<vmem>>, vector<16xf32>,
    tpu.vector_store %arg11[%swap3A], %scan3A_46 {strides = array<i32>} : memref<16xf32, #tpu.memory_space<vmem>>, vector<16xf32>,
    "tpu.region"() ({
      %run_scoped3A = tpu.sem_alloc : memref<!tpu.dma_semaphore, #tpu.memory_space<semaphore_mem>>
      %dma_start3A = arith.constant 0 : i32
      %dma_start3A_49 = arith.constant 0 : i32
      %dma_start3A_50 = tpu.memref_slice %arg5[%select_n3A, %select_n3A_30, %dma_start3A, %dma_start3A_49] : memref<16x2x4x2048xf32, #tpu.memory_space<hbm>> -> memref<1x1x4x2048xf32, #tpu.memory_space<hbm>>
      %dma_start3A_51 = tpu.memref_squeeze %dma_start3A_50 : memref<1x1x4x2048xf32, #tpu.memory_space<hbm>> -> memref<4x2048xf32, #tpu.memory_space<hbm>>
      %dma_start3A_52 = arith.constant 0 : i32
      %dma_start3A_53 = arith.constant 0 : i32
      %dma_start3A_54 = tpu.memref_slice %arg5[%select_n3A, %select_n3A_30, %dma_start3A_52, %dma_start3A_53] : memref<16x2x4x2048xf32, #tpu.memory_space<hbm>> -> memref<1x1x4x2048xf32, #tpu.memory_space<hbm>>
      %dma_start3A_55 = tpu.memref_squeeze %dma_start3A_54 : memref<1x1x4x2048xf32, #tpu.memory_space<hbm>> -> memref<4x2048xf32, #tpu.memory_space<hbm>>
      tpu.enqueue_dma source(%arg10 : memref<4x2048xf32, #tpu.memory_space<vmem>>) target(%dma_start3A_55 : memref<4x2048xf32, #tpu.memory_space<hbm>>) target_semaphore(%run_scoped3A : memref<!tpu.dma_semaphore, #tpu.memory_space<semaphore_mem>>)
      %dma_wait3A = arith.constant 0 : i32
      %dma_wait3A_56 = arith.constant 0 : i32
      %dma_wait3A_57 = tpu.memref_slice %arg5[%select_n3A, %select_n3A_30, %dma_wait3A, %dma_wait3A_56] : memref<16x2x4x2048xf32, #tpu.memory_space<hbm>> -> memref<1x1x4x2048xf32, #tpu.memory_space<hbm>>
      %dma_wait3A_58 = tpu.memref_squeeze %dma_wait3A_57 : memref<1x1x4x2048xf32, #tpu.memory_space<hbm>> -> memref<4x2048xf32, #tpu.memory_space<hbm>>
      %dma_wait3A_59 = arith.constant 0 : i32
      %dma_wait3A_60 = arith.constant 0 : i32
      %dma_wait3A_61 = tpu.memref_slice %arg5[%select_n3A, %select_n3A_30, %dma_wait3A_59, %dma_wait3A_60] : memref<16x2x4x2048xf32, #tpu.memory_space<hbm>> -> memref<1x1x4x2048xf32, #tpu.memory_space<hbm>>
      %dma_wait3A_62 = tpu.memref_squeeze %dma_wait3A_61 : memref<1x1x4x2048xf32, #tpu.memory_space<hbm>> -> memref<4x2048xf32, #tpu.memory_space<hbm>>
      tpu.wait_dma2 semaphore(%run_scoped3A : memref<!tpu.dma_semaphore, #tpu.memory_space<semaphore_mem>>) src(%arg10 : memref<4x2048xf32, #tpu.memory_space<vmem>>) dst(%dma_wait3A_62 : memref<4x2048xf32, #tpu.memory_space<hbm>>)
      tpu.yield
    }) : () -> ()
    "tpu.region"() ({
      %run_scoped3A = tpu.sem_alloc : memref<!tpu.dma_semaphore, #tpu.memory_space<semaphore_mem>>
      %dma_start3A = arith.constant 0 : i32
      %dma_start3A_49 = tpu.memref_slice %arg6[%add3A, %dma_start3A] : memref<32x16xf32, #tpu.memory_space<hbm>> -> memref<1x16xf32, #tpu.memory_space<hbm>>
      %dma_start3A_50 = tpu.memref_squeeze %dma_start3A_49 : memref<1x16xf32, #tpu.memory_space<hbm>> -> memref<16xf32, #tpu.memory_space<hbm>>
      %dma_start3A_51 = arith.constant 0 : i32
      %dma_start3A_52 = tpu.memref_slice %arg6[%add3A, %dma_start3A_51] : memref<32x16xf32, #tpu.memory_space<hbm>> -> memref<1x16xf32, #tpu.memory_space<hbm>>
      %dma_start3A_53 = tpu.memref_squeeze %dma_start3A_52 : memref<1x16xf32, #tpu.memory_space<hbm>> -> memref<16xf32, #tpu.memory_space<hbm>>
      tpu.enqueue_dma source(%arg11 : memref<16xf32, #tpu.memory_space<vmem>>) target(%dma_start3A_53 : memref<16xf32, #tpu.memory_space<hbm>>) target_semaphore(%run_scoped3A : memref<!tpu.dma_semaphore, #tpu.memory_space<semaphore_mem>>)
      %dma_wait3A = arith.constant 0 : i32
      %dma_wait3A_54 = tpu.memref_slice %arg6[%add3A, %dma_wait3A] : memref<32x16xf32, #tpu.memory_space<hbm>> -> memref<1x16xf32, #tpu.memory_space<hbm>>
      %dma_wait3A_55 = tpu.memref_squeeze %dma_wait3A_54 : memref<1x16xf32, #tpu.memory_space<hbm>> -> memref<16xf32, #tpu.memory_space<hbm>>
      %dma_wait3A_56 = arith.constant 0 : i32
      %dma_wait3A_57 = tpu.memref_slice %arg6[%add3A, %dma_wait3A_56] : memref<32x16xf32, #tpu.memory_space<hbm>> -> memref<1x16xf32, #tpu.memory_space<hbm>>
      %dma_wait3A_58 = tpu.memref_squeeze %dma_wait3A_57 : memref<1x16xf32, #tpu.memory_space<hbm>> -> memref<16xf32, #tpu.memory_space<hbm>>
      tpu.wait_dma2 semaphore(%run_scoped3A : memref<!tpu.dma_semaphore, #tpu.memory_space<semaphore_mem>>) src(%arg11 : memref<16xf32, #tpu.memory_space<vmem>>) dst(%dma_wait3A_58 : memref<16xf32, #tpu.memory_space<hbm>>)
      tpu.yield
    }) : () -> ()
    return
  }
}

module attributes {stable_mosaic.version = 14 : i64} {
  func.func @_tc_body(%arg0: i32, %arg1: i32, %arg2: memref<1xf32, #tpu.memory_space<smem>>, %arg3: memref<1x4096x4xf32, #tpu.memory_space<vmem>>, %arg4: memref<1x4x1024xf32, #tpu.memory_space<vmem>>, %arg5: memref<1x1x1024xf32, #tpu.memory_space<vmem>>, %arg6: memref<1x4096x1xi32, #tpu.memory_space<vmem>>) attributes {dimension_semantics = [#tpu.dimension_semantics<arbitrary>, #tpu.dimension_semantics<arbitrary>], iteration_bounds = array<i64: 16, 1>, scalar_prefetch = 0 : i64, scratch_operands = 0 : i64, tpu.core_type = #tpu.core_type<tc>, window_params = [{transform_indices = @transform_0, window_bounds = array<i64: 1>}, {transform_indices = @transform_1, window_bounds = array<i64: 1, 4096, 4>}, {transform_indices = @transform_2, window_bounds = array<i64: 1, 4, 1024>}, {transform_indices = @transform_3, window_bounds = array<i64: 1, 1, 1024>}, {transform_indices = @transform_4, window_bounds = array<i64: 1, 4096, 1>}]} {
    %get3A = arith.constant 0 : index
    %get3A_0 = memref.load %arg2[%get3A] : memref<1xf32, #tpu.memory_space<smem>>
    %get3A_1 = arith.constant 0 : index
    %get3A_2 = arith.constant 0 : index
    %get3A_3 = arith.constant 0 : index
    %get3A_4 = vector.load %arg5[%get3A_1, %get3A_2, %get3A_3] : memref<1x1x1024xf32, #tpu.memory_space<vmem>>, vector<1x1x1024xf32>
    %get3A_5 = vector.shape_cast %get3A_4 : vector<1x1x1024xf32> to vector<1x1024xf32>
    %reduce_max3A = arith.constant dense<0xFF800000> : vector<1xf32>
    %reduce_max3A_6 = vector.multi_reduction <maximumf>, %get3A_5, %reduce_max3A [1] : vector<1x1024xf32> to vector<1xf32>
    %broadcast_in_dim3A = vector.shape_cast %reduce_max3A_6 : vector<1xf32> to vector<1x1xf32>
    %sub3A = vector.broadcast %broadcast_in_dim3A : vector<1x1xf32> to vector<1x1024xf32>
    %sub3A_7 = arith.subf %get3A_5, %sub3A : vector<1x1024xf32>
    %exp3A = math.exp %sub3A_7 : vector<1x1024xf32>
    %reduce_sum3A = arith.constant dense<0.000000e+00> : vector<1xf32>
    %reduce_sum3A_8 = vector.multi_reduction <add>, %exp3A, %reduce_sum3A [1] : vector<1x1024xf32> to vector<1xf32>
    %broadcast_in_dim3A_9 = vector.shape_cast %reduce_sum3A_8 : vector<1xf32> to vector<1x1xf32>
    %log3A = math.log %broadcast_in_dim3A_9 : vector<1x1xf32>
    %add3A = arith.addf %log3A, %broadcast_in_dim3A : vector<1x1xf32>
    %sub3A_10 = vector.broadcast %add3A : vector<1x1xf32> to vector<1x1024xf32>
    %sub3A_11 = arith.subf %get3A_5, %sub3A_10 : vector<1x1024xf32>
    %mul3A = arith.constant -1.44269502 : f32
    %mul3A_12 = vector.broadcast %mul3A : f32 to vector<1x1024xf32>
    %mul3A_13 = arith.mulf %sub3A_11, %mul3A_12 : vector<1x1024xf32>
    %get3A_14 = arith.constant 0 : index
    %get3A_15 = arith.constant 0 : index
    %get3A_16 = arith.constant 0 : index
    %get3A_17 = vector.load %arg4[%get3A_14, %get3A_15, %get3A_16] : memref<1x4x1024xf32, #tpu.memory_space<vmem>>, vector<1x4x1024xf32>
    %get3A_18 = vector.shape_cast %get3A_17 : vector<1x4x1024xf32> to vector<4x1024xf32>
    %mul3A_19 = arith.mulf %get3A_18, %get3A_18 : vector<4x1024xf32>
    %reduce_sum3A_20 = arith.constant dense<0.000000e+00> : vector<1024xf32>
    %reduce_sum3A_21 = vector.multi_reduction <add>, %mul3A_19, %reduce_sum3A_20 [0] : vector<4x1024xf32> to vector<1024xf32>
    %broadcast_in_dim3A_22 = vector.shape_cast %reduce_sum3A_21 : vector<1024xf32> to vector<1x1024xf32>
    %mul3A_23 = vector.broadcast %get3A_0 : f32 to vector<1x1024xf32>
    %mul3A_24 = arith.mulf %mul3A_13, %mul3A_23 : vector<1x1024xf32>
    %add3A_25 = arith.addf %broadcast_in_dim3A_22, %mul3A_24 : vector<1x1024xf32>
    %mul3A_26 = arith.constant -2.000000e+00 : f32
    %mul3A_27 = vector.broadcast %mul3A_26 : f32 to vector<4x1024xf32>
    %mul3A_28 = arith.mulf %get3A_18, %mul3A_27 : vector<4x1024xf32>
    %concatenate3A = tpu.concatenate %mul3A_28, %add3A_25 in 0 : vector<4x1024xf32>, vector<1x1024xf32> -> vector<5x1024xf32>
    %get3A_29 = arith.constant 0 : index
    %get3A_30 = arith.constant 0 : index
    %get3A_31 = arith.constant 0 : index
    %get3A_32 = vector.load %arg3[%get3A_29, %get3A_30, %get3A_31] : memref<1x4096x4xf32, #tpu.memory_space<vmem>>, vector<1x4096x4xf32>
    %get3A_33 = vector.shape_cast %get3A_32 : vector<1x4096x4xf32> to vector<4096x4xf32>
    %broadcast_in_dim3A_34 = arith.constant 1.000000e+00 : f32
    %broadcast_in_dim3A_35 = vector.broadcast %broadcast_in_dim3A_34 : f32 to vector<4096x1xf32>
    %concatenate3A_36 = tpu.concatenate %get3A_33, %broadcast_in_dim3A_35 in 1 : vector<4096x4xf32>, vector<4096x1xf32> -> vector<4096x5xf32>
    %dot_general3A = arith.constant dense<0.000000e+00> : vector<4096x1024xf32>
    %dot_general3A_37 = tpu.matmul %concatenate3A_36, %concatenate3A, %dot_general3A {dimension_numbers = #tpu.dot_dimension_numbers<[1], [0], [0], [1], [0, 0, 1, 1], [], []>, transpose_lhs_hint = false} : vector<4096x5xf32>, vector<5x1024xf32>, vector<4096x1024xf32> -> vector<4096x1024xf32>
    %argmin3A = tpu.reduce_index %dot_general3A_37 {axis = 1 : i32, kind = #tpu.reduction_kind<arg_min>} : vector<4096x1024xf32> -> vector<4096xi32>
    %broadcast_in_dim3A_38 = vector.shape_cast %argmin3A : vector<4096xi32> to vector<4096x1xi32>
    %swap3A = arith.constant 0 : index
    %swap3A_39 = arith.constant 0 : index
    %swap3A_40 = arith.constant 0 : index
    %swap3A_41 = vector.load %arg6[%swap3A, %swap3A_39, %swap3A_40] : memref<1x4096x1xi32, #tpu.memory_space<vmem>>, vector<1x4096x1xi32>
    %swap3A_42 = vector.shape_cast %swap3A_41 : vector<1x4096x1xi32> to vector<4096x1xi32>
    %swap3A_43 = vector.shape_cast %broadcast_in_dim3A_38 : vector<4096x1xi32> to vector<1x4096x1xi32>
    tpu.vector_store %arg6[%swap3A, %swap3A_39, %swap3A_40], %swap3A_43 {strides = array<i32>} : memref<1x4096x1xi32, #tpu.memory_space<vmem>>, vector<1x4096x1xi32>,
    return
  }
  func.func @transform_0(%arg0: i32, %arg1: i32) -> i32 {
    %c0_i32 = arith.constant 0 : i32
    %c0_i32_0 = arith.constant 0 : i32
    return %c0_i32 : i32
  }
  func.func @transform_1(%arg0: i32, %arg1: i32) -> (i32, i32, i32) {
    %c0_i32 = arith.constant 0 : i32
    %c0_i32_0 = arith.constant 0 : i32
    return %arg0, %arg1, %c0_i32 : i32, i32, i32
  }
  func.func @transform_2(%arg0: i32, %arg1: i32) -> (i32, i32, i32) {
    %c0_i32 = arith.constant 0 : i32
    %c0_i32_0 = arith.constant 0 : i32
    %c0_i32_1 = arith.constant 0 : i32
    return %arg0, %c0_i32, %c0_i32_0 : i32, i32, i32
  }
  func.func @transform_3(%arg0: i32, %arg1: i32) -> (i32, i32, i32) {
    %c0_i32 = arith.constant 0 : i32
    %c0_i32_0 = arith.constant 0 : i32
    %c0_i32_1 = arith.constant 0 : i32
    return %arg0, %c0_i32, %c0_i32_0 : i32, i32, i32
  }
  func.func @transform_4(%arg0: i32, %arg1: i32) -> (i32, i32, i32) {
    %c0_i32 = arith.constant 0 : i32
    %c0_i32_0 = arith.constant 0 : i32
    return %arg0, %arg1, %c0_i32 : i32, i32, i32
  }
}

</mosaic_0001>

<sc_bundles>
// kernel: kernel.4.cloned.1.call-start
scs
__scs_entry_jumppad:
0x0: {  	(pc) =	sbr.rel $0x88, $3  }
0x1: {  	(tag) =	ssettag $0x0;
	lr =	simm.s32 $0x1  }
0x2: {  	[smem:$0x3F9D] =	sst lr;
	_ =	strace $0xD0000000  }
0x3: {  	_ = 	snop  }
0x4: {  	_ = 	snop  }
0x5: {  	_ = 	snop  }
0x6: {  	_ = 	snop  }
0x7: {  	_ = 	snop  }
__scs_overlays_trampoline_lowered:
0x8: {  	[smem:$0x3FAC] =	sst s0  }
0x9: {  	[smem:$0x3FAD] =	sst s1  }
0xa: {  	[smem:$0x3FAE] =	sst s2  }
0xb: {  	[smem:$0x3FAF] =	sst s3  }
0xc: {  	[smem:$0x3FB0] =	sst s4  }
0xd: {  	[smem:$0x3FB1] =	sst s5  }
0xe: {  	[smem:$0x3FB2] =	sst s6  }
0xf: {  	[smem:$0x3FB3] =	sst s7  }
0x10: {  	[smem:$0x3FB4] =	sst s8  }
0x11: {  	[smem:$0x3FB5] =	sst s9;
	s0 =	simm.s32 @!p0 $0x0  }
0x12: {  	s1 =	sld [smem:$0x3F9B];
	s0 =	simm.s32 @p0 $0x1  }
0x13: {  	[smem:$0x3FB6] =	sst s0;
	s0 =	simm.s32 @!p1 $0x0  }
0x14: {  	s2 =	sld [smem:$0x3F9A];
	s0 =	simm.s32 @p1 $0x1  }
0x15: {  	[smem:$0x3FB7] =	sst s0;
	s0 =	simm.s32 @!p2 $0x0  }
0x16: {  	s3 =	sld [smem:$0x3FDB];
	s0 =	simm.s32 @p2 $0x1  }
0x17: {  	s4 =	simm.s32 $0x1BF5;
	[smem:$0x3FB9] =	sst s0  }
0x18: {  	s0 =	sld [smem:$0x3F9C];
	_ =	swait.ge [sflag:s4], $0x0  }
0x19: {  	s7 =	sld [smem:$0x3F9D]  }
0x1a: {  	s8 =	sadd.s32 $0xFFFFE003, lr  }
0x1b: {  	s9 =	sadd.s32 $0xFFFFFEF7, lr;
	s5 =	simm.s32 $0xFFFFFFFF;
	p2 =	slt.u32 s8, $0xFFFFF086  }
0x1c: {  	p1 =	slt.u32 s9, $0xF7A;
	s5 =	simm.s32 @!p2 $0x0  }
0x1d: {  	s5 =	simm.s32 @p1 $0x1;
	p0 =	seq.s32 s7, s2  }
0x1e: {  	s7 =	smul.u32 @!p0 $0xF7A, s2;
	p2 =	seq.s32 @!p0 s5, $0x0  }
0x1f: {  	s9 =	smul.u32 $0xF7A, s1;
	s8 =	simm.s32 @!p0 $0x1BF5;
	p2 =	por !p2, p0  }
0x20: {  	[sflag:s8] =	ssyncset.s32 @!p0 $0xFFFFF086;
	s6 =	sadd.s32 @!p0 s3, s7;
	s7 =	simm.s32 @!p0 $0x108  }
0x21: {  	s3 =	sadd.s32 s3, s9;
	s6 =	sadd.s32 @!p0 $0x88, s6;
	s7 =	simm.s32 @p2 $0x1082  }
0x22: {  	[simem:s7], [sflag:s8] =	dma.local @!p0 [hbm:s6], $0xF7A  }
0x23: {  	s9 =	sor.u32 $0xD0000000, s2;
	s6 =	simm.s32 $0x108;
	_ =	swait.ge @!p0 [sflag:s8], $0x0  }
0x24: {  	s3 =	sadd.s32 $0x88, s3;
	s6 =	simm.s32 @!p1 $0x1082;
	[sflag:s4] =	ssyncset.s32 $0xFFFFF086  }
0x25: {  	[simem:s6], [sflag:s4] =	dma.local [hbm:s3], $0xF7A  }
0x26: {  	[smem:$0x3F9D] =	sst s1;
	(tag) =	ssettag s2;
	_ =	strace s9  }
0x27: {  	s1 =	sld [smem:$0x3FAD]  }
0x28: {  	s2 =	sld [smem:$0x3FAE]  }
0x29: {  	s4 =	sld [smem:$0x3FB0]  }
0x2a: {  	p0 =	seq.s32 s5, $0x0;
	s5 =	sld [smem:$0x3FB1]  }
0x2b: {  	s6 =	sld [smem:$0x3FB2]  }
0x2c: {  	s7 =	sld [smem:$0x3FB3]  }
0x2d: {  	s3 =	simm.s32 $0x108;
	s8 =	sld [smem:$0x3FB4]  }
0x2e: {  	s3 =	simm.s32 @!p0 $0x1082;
	s9 =	sld [smem:$0x3FB5]  }
0x2f: {  	lr =	sadd.s32 s0, s3;
	s0 =	sld [smem:$0x3FAC]  }
0x30: {  	s3 =	sld [smem:$0x3FAF]  }
0x31: {  	[smem:$0x3FB8] =	sst s10  }
0x32: {  	s10 =	sld [smem:$0x3FB6];
	_ =	sdelay $0x3  }
0x33: {  	p0 =	seq.s32 s10, $0x1;
	s10 =	sld [smem:$0x3FB8];
	_ =	sdelay $0x3  }
0x34: {  	[smem:$0x3FB8] =	sst s10  }
0x35: {  	s10 =	sld [smem:$0x3FB7];
	_ =	sdelay $0x3  }
0x36: {  	p1 =	seq.s32 s10, $0x1;
	s10 =	sld [smem:$0x3FB8];
	_ =	sdelay $0x3  }
0x37: {  	[smem:$0x3FB8] =	sst s10  }
0x38: {  	s10 =	sld [smem:$0x3FB9]  }
0x39: {  	_ = 	snop;
	(pc) =	sbr.ind lr, $3  }
0x3a: {  	_ = 	snop  }
0x3b: {  	_ = 	snop  }
0x3c: {  	p2 =	seq.s32 s10, $0x1;
	s10 =	sld [smem:$0x3FB8]  }
0x3d: {  	_ =	shalt  }
0x3e: {  	_ =	shalt  }
0x3f: {  	_ =	shalt  }
0x40: {  	_ =	shalt  }
0x41: {  	_ =	shalt  }
0x42: {  	_ =	shalt  }
0x43: {  	_ =	shalt  }
0x44: {  	_ =	shalt  }
0x45: {  	_ =	shalt  }
0x46: {  	_ =	shalt  }
0x47: {  	_ =	shalt  }
0x48: {  	_ =	shalt  }
0x49: {  	_ =	shalt  }
0x4a: {  	_ =	shalt  }
0x4b: {  	_ =	shalt  }
0x4c: {  	_ =	shalt  }
0x4d: {  	_ =	shalt  }
0x4e: {  	_ =	shalt  }
0x4f: {  	_ =	shalt  }
0x50: {  	_ =	shalt  }
0x51: {  	_ =	shalt  }
0x52: {  	_ =	shalt  }
0x53: {  	_ =	shalt  }
0x54: {  	_ =	shalt  }
0x55: {  	_ =	shalt  }
0x56: {  	_ =	shalt  }
0x57: {  	_ =	shalt  }
0x58: {  	_ =	shalt  }
0x59: {  	_ =	shalt  }
0x5a: {  	_ =	shalt  }
0x5b: {  	_ =	shalt  }
0x5c: {  	_ =	shalt  }
0x5d: {  	_ =	shalt  }
0x5e: {  	_ =	shalt  }
0x5f: {  	_ =	shalt  }
0x60: {  	_ =	shalt  }
0x61: {  	_ =	shalt  }
0x62: {  	_ =	shalt  }
0x63: {  	_ =	shalt  }
0x64: {  	_ =	shalt  }
0x65: {  	_ =	shalt  }
0x66: {  	_ =	shalt  }
0x67: {  	_ =	shalt  }
0x68: {  	_ =	shalt  }
0x69: {  	_ =	shalt  }
0x6a: {  	_ =	shalt  }
0x6b: {  	_ =	shalt  }
0x6c: {  	_ =	shalt  }
0x6d: {  	_ =	shalt  }
0x6e: {  	_ =	shalt  }
0x6f: {  	_ =	shalt  }
0x70: {  	_ =	shalt  }
0x71: {  	_ =	shalt  }
0x72: {  	_ =	shalt  }
0x73: {  	_ =	shalt  }
0x74: {  	_ =	shalt  }
0x75: {  	_ =	shalt  }
0x76: {  	_ =	shalt  }
0x77: {  	_ =	shalt  }
0x78: {  	_ =	shalt  }
0x79: {  	_ =	shalt  }
0x7a: {  	_ =	shalt  }
0x7b: {  	_ =	shalt  }
0x7c: {  	_ =	shalt  }
0x7d: {  	_ =	shalt  }
0x7e: {  	_ =	shalt  }
0x7f: {  	_ =	shalt  }
0x80: {  	_ =	shalt  }
0x81: {  	_ =	shalt  }
0x82: {  	_ =	shalt  }
0x83: {  	_ =	shalt  }
0x84: {  	_ =	shalt  }
0x85: {  	_ =	shalt  }
0x86: {  	_ =	shalt  }
0x87: {  	_ =	shalt  }
.Lfunc_end0:
.L_simem_size_0:
called_computation_lowered:
.L_overlay_start_0:
0x88: {  	s2 =	sld [smem:$0x3FD9]  }
0x89: {  	s3 =	sld [smem:$0x3FFE];
	_ =	sdelay $0x1  }
0x8a: {  	s1 =	srdreg.scid  }
0x8b: {  	s0 =	sand.u32 $0x1, s1  }
0x8c: {  	s14 =	sshll.u32 s0, $0xA;
	s2 =	sadd.s32 s3, s2  }
0x8d: {  	s2 =	sadd.s32 s2, s14  }
0x8e: {  	[smem:$0x3FC4] =	sst s2  }
0x8f: {  	_ = 	snop  }
0x90: {  	s2 =	sld [smem:$0x3FD0];
	_ =	sdelay $0x2  }
0x91: {  	s15 =	simm.s32 $0xA;
	s4 =	simm.s32 $0x10  }
0x92: {  	[smem:s4], [sflag:s15] =	dma.local [hbm:s2], $0x1  }
0x93: {  	_ =	swait.eq [sflag:s15], $0x1  }
0x94: {  	[sflag:s15] =	ssyncset.done $0x0  }
0x95: {  	[sflag:s15] =	ssyncadd.s32 $0xFFFFFFFF  }
0x96: {  	s16 =	sld [smem:$0x10];
	(tm) =	ssettm $0x1  }
0x97: {  	s17 =	sld [smem:$0x3FFB];
	_ =	sdelay $0x3  }
0x98: {  	_ =	strace s17  }
0x99: {  	s3 =	sld [smem:$0x3FFC];
	_ =	sdelay $0x3  }
0x9a: {  	_ =	strace s3  }
0x9b: {  	s3 =	sld [smem:$0x3FFD];
	_ =	sdelay $0x3  }
0x9c: {  	_ =	strace s3  }
0x9d: {  	_ =	strace $0x8FFFFFFF  }
0x9e: {  	s18 =	sld [smem:$0x3FDB];
	_ =	sdelay $0x1  }
0x9f: {  	s19 =	simm.s32 $_scs_section_size  }
0xa0: {  	s5 =	simm.s32 $_size__tile_overlayer_lowered;
	s6 =	simm.s32 $_tile_overlayer_lowered  }
0xa1: {  	s22 =	simm.s32 $0x1BFF;
	s21 =	sshll.u32 s6, $0x1;
	s3 =	sadd.s32 s19, s18  }
0xa2: {  	s7 =	simm.s32 $0x0;
	s20 =	sshll.u32 s5, $0x1;
	s5 =	sadd.s32 s21, s3  }
0xa3: {  	[timem:s7], [sflag:s22] =	dma.local [hbm:s5], s20  }
0xa4: {  	_ =	swait.ge [sflag:s22], s20  }
0xa5: {  	s4 =	ssub.s32 $0x0, s20;
	[sflag:s22] =	ssyncset.done $0x0  }
0xa6: {  	[sflag:s22] =	ssyncadd.s32 s4;
	_ =	sdelay $0x1  }
0xa7: {  	s23 =	simm.s32 $0x1B8B  }
0xa8: {  	_ =	swait.ge [sflag:s23], $0x1  }
0xa9: {  	[sflag:s23] =	ssyncset.done $0x0  }
0xaa: {  	s25 =	simm.s32 $0x1B8E;
	s24 =	sld [smem:$0x3FFE];
	[sflag:s23] =	ssyncadd.s32 $0xFFFFFFFF  }
0xab: {  	s26 =	simm.s32 $execute0_lowered;
	[smem:$0x3FD2] =	sst s25  }
0xac: {  	s5 =	sshll.u32 s26, $0x1;
	_ =	strace $0x80000046;
	[dreg:$0x1] =	wrdreg $0xFFFFFFFF  }
0xad: {  	s28 =	simm.s32 $_size_execute0_lowered;
	s3 =	sadd.s32 s3, s5;
	[dreg:$0x0] =	wrdreg $0x0  }
0xae: {  	s5 =	sshll.u32 s28, $0x1;
	[dreg:$0x2] =	wrdreg s3  }
0xaf: {  	[dreg:$0x3] =	wrdreg s5  }
0xb0: {  	[dreg:$0x4] =	wrdreg $0xC0  }
0xb1: {  	_ =	task [dreg:s7], $0x5FFFF  }
0xb2: {  	[dreg:$0x1] =	wrdreg $0xFFFFFFFF  }
0xb3: {  	[dreg:$0x0] =	wrdreg $0x60  }
0xb4: {  	[dreg:$0x2] =	wrdreg s24  }
0xb5: {  	[dreg:$0x3] =	wrdreg s16  }
0xb6: {  	[dreg:$0x4] =	wrdreg $0x9  }
0xb7: {  	_ =	task.clear_ibuf [dreg:s7], $0x5FFFF;
	_ =	strace $0x90000046  }
0xb8: {  	s29 =	simm.s32 $0x9;
	_ =	strace $0x80000048  }
0xb9: {  	_ =	swait.ge [sflag:s29], $0x1  }
0xba: {  	[sflag:s29] =	ssyncadd.s32 $0xFFFFFFFF  }
0xbb: {  	_ =	strace $0x90000048  }
0xbc: {  	_ =	sfence  }
0xbd: {  	s30 =	sld [smem:$0x0];
	_ =	sdelay $0x2  }
0xbe: {  	s31 =	sshll.u32 s1, $0xD;
	s1 =	sshrl.u32 s1, $0x2  }
0xbf: {  	s3 =	sand.u32 $0x4000, s31;
	s1 =	sadd.s32 s1, s30  }
0xc0: {  	s0 =	sor.u32 s3, s0;
	s1 =	sshll.u32 s1, $0x11  }
0xc1: {  	s0 =	sor.u32 s1, s0  }
0xc2: {  	s0 =	sadd.s32 $0x8F2B, s0  }
0xc3: {  	[sflag:s0] =	ssyncadd.remote.s32 $0x1  }
0xc4: {  	_ =	sfence.sel $0xFFFF  }
0xc5: {  	[dreg:$0x0] =	wrdreg $0xFFFFFFFF;
	(pc) =	sbr.abs _section_cstart, $3  }
0xc6: {  	[dreg:$0x1] =	wrdreg $0xFFFFFFFF  }
0xc7: {  	_ =	task.clear_ibuf [dreg:s7], $0x2FFFF;
	_ =	strace $0x9FFFFFFF  }
0xc8: {  	(tm) =	ssettm $0x7FFFFFFF  }
0xc9: {  	_ =	shalt  }
tec
execute0_lowered:
.L_overlay_start_1:
0x0: {  	(tag) =	ssettag $0x1  }
0x1: {  	s1 =	srdreg.scid  }
0x2: {  	s0 =	stileid.u32;
	s6 =	rddreg [dreg:$0x0]  }
0x3: {  	s3 =	simm.s32 $0x1;
	s4 =	sand.u32 $0x1, s1;
	s28 =	sshll.u32 s0, $0x1  }
0x4: {  	s7 =	rddreg [dreg:$0x1];
	s2 =	simm.s32 $0x0;
	s5 =	sor.u32 s4, s28  }
0x5: {  	s1 =	rddreg [dreg:$0x2];
	p1 =	seq.s32 s4, $0x1;
	p0 =	seq.s32 s5, $0x0  }
0x6: {  	s14 =	simm.s32 $0x0;
	[smem:$0x7FF] =	sst s2;
	p0 =	por !p0, !p1  }
0x7: {  	_ =	strace $0x80000047;
	s11 =	sshll.u32 s4, $0xB;
	p0 =	por !p0, !p0  }
0x8: {  	s29 =	ssub.s32 $0x2, s4;
	s4 =	sshll.u32 s4, $0xD;
	s3 =	simm.s32 @!p0 $0x0  }
0x9: {  	s5 =	sshll.u32 s5, $0x4;
	s30 =	sshrl.u32 s29, $0x1;
	s8 =	ssub.s32 s0, s3  }
0xa: {  	s12 =	sadd.s32 s5, s6;
	s3 =	simm.s32 $0x1;
	s9 =	sshll.u32 s8, $0xC  }
0xb: {  	s13 =	sshll.u32 s8, $0x7;
	s8 =	sshll.u32 s8, $0xE;
	s10 =	sshrl.u32 s9, $0x3  }
0xc: {  	s9 =	sor.u32 s11, s9;
	s11 =	ssub.s32 s29, s30;
	s31 =	sand.u32 $0x1FFFFF80, s13  }
0xd: {  	s8 =	sor.u32 s4, s8;
	s13 =	simm.s32 $0x3C00;
	s10 =	sadd.s32 s10, s6  }
0xe: {  	s9 =	sshrl.u32 s9, $0x3;
	s5 =	sadd.s32 s6, s31;
	s8 =	sshrl.u32 s8, $0x3  }
0xf: {  	s9 =	sadd.s32 s9, s6;
	s4 =	sadd.s32 $0x2800, s10;
	s7 =	sadd.s32 s7, s8  }
0x10: {  	s8 =	sadd.s32 $0x4800, s12;
	s10 =	simm.s32 $0x1000;
	s12 =	simm.s32 $0x1C00  }
0x11: {  	s6 =	sadd.s32 $0x800, s9;
	s9 =	smax.u32 s11, $0x1;
	s11 =	simm.s32 $0x1400  }
.LBB2_1:
0x12: {  	[tilespmem:s2], [sflag:$0x1] =	stream.linear.gather [hbm4b:s4+s2], $0x1000, $0x38;
	[tilespmem:$0x3C80] =	vst v63  }
0x13: {  	_ =	swait.ge [sflag:s3], $0x1000  }
0x14: {  	[sflag:s3] =	ssyncset.done $0x0  }
0x15: {  	[sflag:s3] =	ssyncadd.s32 $0xFFFFF000  }
0x16: {  	[tilespmem:s10], [sflag:$0x1] =	stream.linear.gather [hbm4b:s5+s2], $0x400, $0x38;
	[tilespmem:$0x3C80] =	vst v63  }
0x17: {  	_ =	swait.ge [sflag:s3], $0x400  }
0x18: {  	[sflag:s3] =	ssyncset.done $0x0  }
0x19: {  	[sflag:s3] =	ssyncadd.s32 $0xFFFFFC00  }
0x1a: {  	[tilespmem:s11], [sflag:$0x1] =	stream.linear.gather [hbm4b:s6+s2], $0x800, $0x38;
	[tilespmem:$0x3C80] =	vst v63  }
0x1b: {  	_ =	swait.ge [sflag:s3], $0x800  }
0x1c: {  	[sflag:s3] =	ssyncset.done $0x0  }
0x1d: {  	s15 =	simm.s32 $0x0;
	[sflag:s3] =	ssyncadd.s32 $0xFFFFF800  }
0x1e: {  	v0 =	vld [tilespmem:s15+$0x1400];
	_ =	sdelay $0x4  }
0x1f: {  	v1 =	vshll.u32 v0, $0x2;
	_ =	sdelay $0x4  }
0x20: {  	v2 =	vld.idx.msk [tilespmem:v1+s2+$0x0], $0xffff  }
0x21: {  	v3 =	vor.u32 $0x1, v1;
	_ =	sdelay $0x1  }
0x22: {  	s31 =	sand.u32 $0x70, s2;
	s16 =	sand.u32 $0x1E00, s2  }
0x23: {  	s18 =	sor.u32 s31, s16  }
0x24: {  	v0 =	vld.idx.msk [tilespmem:v0+s10+$0x0], $0xffff;
	[tilespmem:s18+$0x1C00] =	vst v2  }
0x25: {  	v2 =	vld.idx.msk [tilespmem:v3+s2+$0x0], $0xffff  }
0x26: {  	v3 =	vor.u32 $0x2, v1;
	_ =	sdelay $0x3  }
0x27: {  	[tilespmem:s18+$0x1C80] =	vst v2  }
0x28: {  	v2 =	vld.idx.msk [tilespmem:v3+s2+$0x0], $0xffff  }
0x29: {  	v1 =	vor.u32 $0x3, v1;
	_ =	sdelay $0x3  }
0x2a: {  	[tilespmem:s18+$0x1D00] =	vst v2  }
0x2b: {  	v1 =	vld.idx.msk [tilespmem:v1+s2+$0x0], $0xffff;
	_ =	sdelay $0x1  }
0x2c: {  	v3 =	vimm.f32 $0.0e+00  }
0x2d: {  	s17 =	simm.s32 $0x20;
	s16 =	simm.s32 $0x40;
	s15 =	simm.s32 $0x10;
	v0 =	vadd.f32 v0, v3  }
.LBB2_2:
0x2e: {  	p0 =	sne.s32 s17, $0x7F0  }
0x2f: {  	s19 =	sshra.s32 s16, $0x2;
	[tilespmem:s18+$0x1D80] =	vst v1;
	s18 =	smov.u32 s17;
	s17 =	sadd.s32 $0x10, s17  }
0x30: {  	v1 =	vld [tilespmem:s19+$0x1400];
	_ =	sdelay $0x4  }
0x31: {  	v2 =	vshll.u32 v1, $0x2;
	_ =	sdelay $0x4  }
0x32: {  	v3 =	vld.idx.msk [tilespmem:v2+s2+$0x0], $0xffff;
	_ =	sdelay $0x1  }
0x33: {  	v4 =	vor.u32 $0x1, v2;
	_ =	sdelay $0x1  }
0x34: {  	s20 =	sand.u32 $0x1E00, s16;
	s19 =	sand.u32 $0x70, s15;
	s15 =	smov.u32 s18  }
0x35: {  	s18 =	sor.u32 s19, s20;
	v1 =	vld.idx.msk [tilespmem:v1+s10+$0x0], $0xffff  }
0x36: {  	[tilespmem:s18+$0x1C00] =	vst v3  }
0x37: {  	v3 =	vld.idx.msk [tilespmem:v4+s2+$0x0], $0xffff;
	_ =	sdelay $0x1  }
0x38: {  	v4 =	vor.u32 $0x2, v2;
	_ =	sdelay $0x1  }
0x39: {  	v0 =	vadd.f32 v1, v0;
	_ =	sdelay $0x1  }
0x3a: {  	[tilespmem:s18+$0x1C80] =	vst v3  }
0x3b: {  	v1 =	vld.idx.msk [tilespmem:v4+s2+$0x0], $0xffff;
	_ =	sdelay $0x1  }
0x3c: {  	v2 =	vor.u32 $0x3, v2;
	_ =	sdelay $0x3  }
0x3d: {  	[tilespmem:s18+$0x1D00] =	vst v1  }
0x3e: {  	v1 =	vld.idx.msk [tilespmem:v2+s2+$0x0], $0xffff  }
.Ltmp0:
0x3f: {  	(pc) =	sbr.rel @p0 .LBB2_2-.Ltmp0, $2  }
0x40: {  	_ =	sdelay $0x2  }
0x41: {  	s16 =	sadd.s32 $0x40, s16  }
0x42: {  	s17 =	sshra.s32 s16, $0x2;
	[tilespmem:s18+$0x1D80] =	vst v1  }
0x43: {  	v1 =	vld [tilespmem:s17+$0x1400];
	_ =	sdelay $0x4  }
0x44: {  	v2 =	vshll.u32 v1, $0x2;
	_ =	sdelay $0x4  }
0x45: {  	v3 =	vld.idx.msk [tilespmem:v2+s2+$0x0], $0xffff  }
0x46: {  	v4 =	vor.u32 $0x1, v2;
	_ =	sdelay $0x1  }
0x47: {  	s15 =	sand.u32 $0x70, s15;
	s31 =	sand.u32 $0x1E00, s16  }
0x48: {  	s15 =	sor.u32 s15, s31  }
0x49: {  	v1 =	vld.idx.msk [tilespmem:v1+s10+$0x0], $0xffff;
	[tilespmem:s15+$0x1C00] =	vst v3  }
0x4a: {  	v3 =	vld.idx.msk [tilespmem:v4+s2+$0x0], $0xffff  }
0x4b: {  	v63 =	vor.u32 $0x2, v2;
	_ =	sdelay $0x3  }
0x4c: {  	[tilespmem:s15+$0x1C80] =	vst v3  }
0x4d: {  	v3 =	vld.idx.msk [tilespmem:v63+s2+$0x0], $0xffff  }
0x4e: {  	v2 =	vor.u32 $0x3, v2;
	_ =	sdelay $0x3  }
0x4f: {  	[tilespmem:s15+$0x1D00] =	vst v3  }
0x50: {  	v2 =	vld.idx.msk [tilespmem:v2+s2+$0x0], $0xffff;
	_ =	sdelay $0x3  }
0x51: {  	v0 =	vadd.f32 v1, v0  }
0x52: {  	[tilespmem:s15+$0x1D80] =	vst v2  }
0x53: {  	[tilespmem:$0x3C00] =	vst v0  }
0x54: {  	[hbm4b:s7+s2] =	stream.linear.scatter [tilespmem:s12], [sflag:$0x1], $0x2000, $0x38;
	[tilespmem:$0x3C80] =	vst v63  }
0x55: {  	s14 =	sadd.s32 $0x1, s14;
	_ =	swait.ge [sflag:s3], $0x2000  }
0x56: {  	p0 =	sne.s32 s14, s9;
	[sflag:s3] =	ssyncset.done $0x0  }
.Ltmp1:
0x57: {  	[sflag:s3] =	ssyncadd.s32 $0xFFFFE000;
	(pc) =	sbr.rel @p0 .LBB2_1-.Ltmp1, $4  }
0x58: {  	[hbm4b:s8+s2] =	stream.linear.scatter [tilespmem:s13], [sflag:$0x1], $0x80, $0x38;
	[tilespmem:$0x3C80] =	vst v63  }
0x59: {  	_ =	swait.ge [sflag:s3], $0x80  }
0x5a: {  	[sflag:s3] =	ssyncset.done $0x0  }
0x5b: {  	[sflag:s3] =	ssyncadd.s32 $0xFFFFFF80  }
0x5c: {  	_ =	sfence.sel $0x180000  }
0x5d: {  	[bflag:$0x0] =	sbarrier.arrive $0xFFFF  }
0x5e: {  	p0 =	sne.s32 s0, $0x0;
	_ =	strace $0x90000047  }
0x5f: {  	s0 =	sadd.s32 @!p0 $0x100000, s1;
	[bflag:$0x2] =	sbarrier.arrive $0xFFFF  }
0x60: {  	[sflag:s0] =	ssyncadd.tile.s32 @!p0 $0x1;
	_ =	shalt  }
.Lfunc_end2:
_tile_overlayer_lowered:
.L_overlay_start_2:
0x61: {  	(tag) =	ssettag $0x2  }
0x62: {  	s0 =	rddreg [dreg:$0x0];
	s2 =	stileid.u32  }
0x63: {  	s1 =	rddreg [dreg:$0x1];
	p0 =	sne.s32 s2, $0x0  }
0x64: {  	s3 =	rddreg [dreg:$0x2];
	[bflag:$0x3] =	sbarrier.arrive $0xFFFF;
	s2 =	simm.s32 @!p0 $0x1C01  }
0x65: {  	[timem:s3], [sflag:s2] =	dma.local @!p0 [hbm:s0], s1  }
0x66: {  	s0 =	simm.s32 @!p0 $0x1  }
0x67: {  	_ =	swait.ge @!p0 [sflag:s0], s1  }
0x68: {  	s1 =	ssub.s32 @!p0 $0x0, s1;
	[sflag:s0] =	ssyncset.done @!p0 $0x0  }
0x69: {  	[sflag:s0] =	ssyncadd.s32 @!p0 s1  }
0x6a: {  	[bflag:$0x3] =	sbarrier.arrive $0xFFFF  }
0x6b: {  	_ =	shalt  }

</sc_bundles>
